<compile_context>
chip_gen: v7x
topology: tpu7x:2x2x1
jax: 0.10.2.dev20260603
libtpu: 0.0.44.dev20260713+nightly
codegen_flags: <defaults>
</compile_context>

<pallas_src>
import functools

import jax
import jax.numpy as jnp
from jax import lax
from jax.experimental import pallas as pl
from jax.experimental.pallas import tpu as pltpu
from jax.experimental.pallas import tpu_sc as plsc

OBS_DIM = 64
ACT_DIM = 16
HID = 256
LAT = 32
K = 8192
NCHUNK = 2
CHUNK = K // NCHUNK
COMMITMENT_COST = 0.25

T = 256
TV = 512


def _enc_body(x_ref, w1_ref, b1_ref, w2_ref, b2_ref, w3_ref, b3_ref, lat_ref):
    h = jnp.maximum(
        jnp.dot(x_ref[...], w1_ref[...], preferred_element_type=jnp.float32)
        + b1_ref[...], 0.0)
    h = jnp.maximum(
        jnp.dot(h, w2_ref[...], preferred_element_type=jnp.float32)
        + b2_ref[...], 0.0)
    lat_ref[...] = (jnp.dot(h, w3_ref[...], preferred_element_type=jnp.float32)
                    + b3_ref[...])


def _vq_body(lat_ref, fn_ref, cn_ref, cbT_ref, tok_ref):
    lat = lat_ref[...]
    mm = jnp.dot(lat, cbT_ref[...], preferred_element_type=jnp.float32)
    d2 = (fn_ref[...] + cn_ref[...]) - 2.0 * mm

    iota = jax.lax.broadcasted_iota(jnp.int32, (TV, CHUNK), 1)
    acc_v = None
    acc_i = None
    for c in range(NCHUNK):
        d2c = d2[:, c * CHUNK:(c + 1) * CHUNK]
        mnc = jnp.min(d2c, axis=1, keepdims=True)
        idxc = jnp.min(jnp.where(d2c == mnc, iota + c * CHUNK, K),
                       axis=1, keepdims=True)
        bits = jax.lax.bitcast_convert_type(mnc, jnp.int32)
        rnd = bits + (jnp.int32(0x7FFF) + ((bits >> 16) & 1))
        qv = jax.lax.bitcast_convert_type(rnd & jnp.int32(-65536), jnp.float32)
        if acc_v is None:
            acc_v, acc_i = qv, idxc
        else:
            win = mnc < acc_v
            acc_v = jnp.where(win, qv, acc_v)
            acc_i = jnp.where(win, idxc, acc_i)
    tok_ref[...] = acc_i


def _dec_body(lat_ref, quant_ref, obs_ref, act_ref,
              dw1_ref, db1_ref, dw2_ref, db2_ref, dw3_ref, db3_ref,
              recon_ref, qst_ref, sq_ref, rec_ref):
    i = pl.program_id(0)
    lat = lat_ref[...]
    quant = quant_ref[:, :LAT]
    qst = lat + (quant - lat)
    qst_ref[...] = qst
    diff = lat - quant

    y = jnp.concatenate([qst, act_ref[...]], axis=1)
    hd = jnp.maximum(
        jnp.dot(y, dw1_ref[...], preferred_element_type=jnp.float32)
        + db1_ref[...], 0.0)
    hd = jnp.maximum(
        jnp.dot(hd, dw2_ref[...], preferred_element_type=jnp.float32)
        + db2_ref[...], 0.0)
    recon = (jnp.dot(hd, dw3_ref[...], preferred_element_type=jnp.float32)
             + db3_ref[...])
    recon_ref[...] = recon

    rd = recon - obs_ref[...]
    sq = jnp.sum(diff * diff).reshape(1, 1)
    rc = jnp.sum(rd * rd).reshape(1, 1)

    @pl.when(i == 0)
    def _init():
        sq_ref[...] = jnp.zeros_like(sq_ref)
        rec_ref[...] = jnp.zeros_like(rec_ref)

    sq_ref[...] += sq
    rec_ref[...] += rc


GATHER_D = 128


def _make_sc_gather(n):
    info = plsc.get_sparse_core_info()
    nc, ns = info.num_cores, info.num_subcores
    nw = nc * ns
    b_per_w = n // nw
    mesh = plsc.VectorSubcoreMesh(core_axis_name="c", subcore_axis_name="s")

    @functools.partial(
        pl.kernel, mesh=mesh,
        out_type=jax.ShapeDtypeStruct((n, GATHER_D), jnp.float32),
        scratch_types=[
            pltpu.VMEM((b_per_w,), jnp.int32),
            pltpu.VMEM((b_per_w, GATHER_D), jnp.float32),
            pltpu.SemaphoreType.DMA,
        ],
    )
    def gather_k(table_hbm, idx_hbm, out_hbm, idx_v, rows_v, sem):
        wid = lax.axis_index("s") * nc + lax.axis_index("c")
        base = wid * b_per_w
        pltpu.sync_copy(idx_hbm.at[pl.ds(base, b_per_w)], idx_v)
        pltpu.async_copy(table_hbm.at[idx_v], rows_v, sem).wait()
        pltpu.sync_copy(rows_v, out_hbm.at[pl.ds(base, b_per_w)])

    return gather_k


def kernel(obs, actions, enc_W1, enc_b1, enc_W2, enc_b2, enc_W3, enc_b3,
           codebook, dec_W1, dec_b1, dec_W2, dec_b2, dec_W3, dec_b3):
    b, s, _ = obs.shape
    n = b * s
    nb = n // T

    x = jnp.concatenate([obs, actions], axis=-1).reshape(n, OBS_DIM + ACT_DIM)
    obs2 = obs.reshape(n, OBS_DIM)
    act2 = actions.reshape(n, ACT_DIM)
    cbT = codebook.T

    full = lambda shp: pl.BlockSpec(shp, lambda i: (0,) * len(shp))
    row = lambda w: pl.BlockSpec((T, w), lambda i: (i, 0))

    lat = pl.pallas_call(
        _enc_body,
        grid=(nb,),
        in_specs=[row(OBS_DIM + ACT_DIM),
                  full((OBS_DIM + ACT_DIM, HID)), full((1, HID)),
                  full((HID, HID)), full((1, HID)),
                  full((HID, LAT)), full((1, LAT))],
        out_specs=row(LAT),
        out_shape=jax.ShapeDtypeStruct((n, LAT), jnp.float32),
        compiler_params=pltpu.CompilerParams(
            dimension_semantics=("arbitrary",)),
    )(x, enc_W1, enc_b1.reshape(1, HID), enc_W2, enc_b2.reshape(1, HID),
      enc_W3, enc_b3.reshape(1, LAT))

    fn = jnp.sum(lat ** 2, axis=1, keepdims=True)
    cn = jnp.sum(codebook ** 2, axis=1)[None, :]

    rowv = lambda w: pl.BlockSpec((TV, w), lambda i: (i, 0))
    tok = pl.pallas_call(
        _vq_body,
        grid=(n // TV,),
        in_specs=[rowv(LAT), rowv(1), full((1, K)), full((LAT, K))],
        out_specs=rowv(1),
        out_shape=jax.ShapeDtypeStruct((n, 1), jnp.int32),
        compiler_params=pltpu.CompilerParams(
            dimension_semantics=("arbitrary",)),
    )(lat, fn, cn, cbT)

    cb_pad = jnp.pad(codebook, ((0, 0), (0, GATHER_D - LAT)))
    quant_pad = _make_sc_gather(n)(cb_pad, tok.reshape(n))

    out_shapes = (
        jax.ShapeDtypeStruct((n, OBS_DIM), jnp.float32),
        jax.ShapeDtypeStruct((n, LAT), jnp.float32),
        jax.ShapeDtypeStruct((1, 1), jnp.float32),
        jax.ShapeDtypeStruct((1, 1), jnp.float32),
    )
    recon, qst, sq, rec = pl.pallas_call(
        _dec_body,
        grid=(nb,),
        in_specs=[row(LAT), row(GATHER_D), row(OBS_DIM), row(ACT_DIM),
                  full((LAT + ACT_DIM, HID)), full((1, HID)),
                  full((HID, HID)), full((1, HID)),
                  full((HID, OBS_DIM)), full((1, OBS_DIM))],
        out_specs=(row(OBS_DIM), row(LAT), full((1, 1)), full((1, 1))),
        out_shape=out_shapes,
        compiler_params=pltpu.CompilerParams(
            dimension_semantics=("arbitrary",)),
    )(lat, quant_pad, obs2, act2,
      dec_W1, dec_b1.reshape(1, HID), dec_W2, dec_b2.reshape(1, HID),
      dec_W3, dec_b3.reshape(1, OBS_DIM))

    m = sq[0, 0] / jnp.float32(n * LAT)
    commitment_loss = m * jnp.float32(COMMITMENT_COST)
    codebook_loss = m
    total_q = commitment_loss + codebook_loss
    recon_loss = rec[0, 0] / jnp.float32(n * OBS_DIM)
    total_loss = recon_loss + total_q

    return (recon.reshape(b, s, OBS_DIM), tok.reshape(b, s),
            qst.reshape(b, s, LAT), lat.reshape(b, s, LAT),
            recon_loss, commitment_loss, codebook_loss, total_loss)

# --- scband reference (transcript-rebuilt; emitter-appended) ---
"""Pipeline reference for scband-tokenizer-69518340653130 (READ-ONLY COPY).

The authoritative reference and input builder live on the scoring server;
editing this copy changes nothing except your own understanding.
"""

import jax, jax.numpy as jnp
import numpy as np

OBS_DIM = 64
ACT_DIM = 16
HID = 256
LAT = 32
K = 8192
B = 8
S = 2048
COMMITMENT_COST = 0.25


def setup_inputs(seed: int = 0) -> dict:
    key = jax.random.key(seed)
    ks = jax.random.split(key, 16)

    def w(k, shape):
        return (jax.random.normal(k, shape, dtype=jnp.float32) * 0.02).astype(jnp.float32)

    return {
        "obs": jax.random.normal(ks[0], (B, S, OBS_DIM), dtype=jnp.float32),
        "actions": jax.random.normal(ks[1], (B, S, ACT_DIM), dtype=jnp.float32),
        "enc_W1": w(ks[2], (OBS_DIM + ACT_DIM, HID)),
        "enc_b1": jnp.zeros((HID,), jnp.float32),
        "enc_W2": w(ks[3], (HID, HID)),
        "enc_b2": jnp.zeros((HID,), jnp.float32),
        "enc_W3": w(ks[4], (HID, LAT)),
        "enc_b3": jnp.zeros((LAT,), jnp.float32),
        "codebook": jax.random.uniform(ks[5], (K, LAT), minval=-1.0 / K, maxval=1.0 / K, dtype=jnp.float32),
        "dec_W1": w(ks[6], (LAT + ACT_DIM, HID)),
        "dec_b1": jnp.zeros((HID,), jnp.float32),
        "dec_W2": w(ks[7], (HID, HID)),
        "dec_b2": jnp.zeros((HID,), jnp.float32),
        "dec_W3": w(ks[8], (HID, OBS_DIM)),
        "dec_b3": jnp.zeros((OBS_DIM,), jnp.float32),
    }


def reference(obs, actions, enc_W1, enc_b1, enc_W2, enc_b2, enc_W3, enc_b3,
              codebook, dec_W1, dec_b1, dec_W2, dec_b2, dec_W3, dec_b3):
    # ---- Encoder: MLP over concat(obs, actions) ----
    x = jnp.concatenate([obs, actions], axis=-1)
    h = jax.nn.relu(x @ enc_W1 + enc_b1)
    h = jax.nn.relu(h @ enc_W2 + enc_b2)
    latents = h @ enc_W3 + enc_b3  # [B, S, LAT]

    # ---- Vector quantization ----
    b, s, d = latents.shape
    flat = latents.reshape(-1, d)  # [B*S, LAT]
    # squared euclidean distances (argmin identical to cdist argmin)
    d2 = (jnp.sum(flat ** 2, axis=1, keepdims=True)
          + jnp.sum(codebook ** 2, axis=1)[None, :]
          - 2.0 * (flat @ codebook.T))  # [B*S, K]
    indices = jnp.argmin(d2, axis=1)  # [B*S]
    quantized = jnp.take(codebook, indices, axis=0).reshape(b, s, d)
    tokens = indices.reshape(b, s)

    commitment_loss = jnp.mean((latents - jax.lax.stop_gradient(quantized)) ** 2) * COMMITMENT_COST
    codebook_loss = jnp.mean((quantized - jax.lax.stop_gradient(latents)) ** 2)
    total_quantizer_loss = commitment_loss + codebook_loss

    # straight-through estimator
    quantized_st = latents + jax.lax.stop_gradient(quantized - latents)

    # ---- Decoder: MLP over concat(quantized, actions) ----
    y = jnp.concatenate([quantized_st, actions], axis=-1)
    h = jax.nn.relu(y @ dec_W1 + dec_b1)
    h = jax.nn.relu(h @ dec_W2 + dec_b2)
    reconstructed_obs = h @ dec_W3 + dec_b3  # [B, S, OBS_DIM]

    recon_loss = jnp.mean((reconstructed_obs - obs) ** 2)
    total_loss = recon_loss + total_quantizer_loss

    return (reconstructed_obs, tokens, quantized_st, latents,
            recon_loss, commitment_loss, codebook_loss, total_loss)

if __name__ == "__main__":
    import jax
    _d = setup_inputs()
    print(jax.jit(kernel)(*tuple(_d.values())))

</pallas_src>

<mosaic_0001>
#map = affine_map<(d0, d1) -> (0, 0)>
#map1 = affine_map<(d0, d1) -> (0)>
module attributes {stable_mosaic.version = 14 : i64} {
  func.func @gather_k(%arg0: i32, %arg1: i32, %arg2: memref<8192x128xf32, #tpu.memory_space<hbm>>, %arg3: memref<16384xi32, #tpu.memory_space<hbm>>, %arg4: memref<16384x128xf32, #tpu.memory_space<hbm>>, %arg5: memref<512xi32, #tpu.memory_space<vmem>>, %arg6: memref<512x128xf32, #tpu.memory_space<vmem>>, %arg7: memref<!tpu.dma_semaphore, #tpu.memory_space<semaphore_mem>>) attributes {dimension_semantics = [#tpu.dimension_semantics<core_parallel>, #tpu.dimension_semantics<subcore_parallel>], iteration_bounds = array<i64: 2, 16>, scalar_prefetch = 0 : i64, scratch_operands = 3 : i64, tpu.core_type = #tpu.core_type<sc_vector_subcore>, window_params = [{transform_indices = #map}, {transform_indices = #map1}, {transform_indices = #map}]} {
    %mul3A = arith.constant 2 : i32
    %mul3A_0 = arith.muli %arg1, %mul3A : i32
    %add3A = arith.addi %mul3A_0, %arg0 : i32
    %mul3A_1 = arith.constant 512 : i32
    %mul3A_2 = arith.muli %add3A, %mul3A_1 : i32
    "tpu.region"() ({
      %run_scoped3A = tpu.sem_alloc : memref<!tpu.dma_semaphore, #tpu.memory_space<semaphore_mem>>
      %dma_start3A_7 = tpu.memref_slice %arg3[%mul3A_2] : memref<16384xi32, #tpu.memory_space<hbm>> -> memref<512xi32, #tpu.memory_space<hbm>>
      %dma_start3A_8 = tpu.memref_slice %arg3[%mul3A_2] : memref<16384xi32, #tpu.memory_space<hbm>> -> memref<512xi32, #tpu.memory_space<hbm>>
      tpu.enqueue_dma source(%dma_start3A_8 : memref<512xi32, #tpu.memory_space<hbm>>) target(%arg5 : memref<512xi32, #tpu.memory_space<vmem>>) target_semaphore(%run_scoped3A : memref<!tpu.dma_semaphore, #tpu.memory_space<semaphore_mem>>)
      %dma_wait3A_9 = tpu.memref_slice %arg3[%mul3A_2] : memref<16384xi32, #tpu.memory_space<hbm>> -> memref<512xi32, #tpu.memory_space<hbm>>
      %dma_wait3A_10 = tpu.memref_slice %arg3[%mul3A_2] : memref<16384xi32, #tpu.memory_space<hbm>> -> memref<512xi32, #tpu.memory_space<hbm>>
      tpu.wait_dma2 semaphore(%run_scoped3A : memref<!tpu.dma_semaphore, #tpu.memory_space<semaphore_mem>>) src(%dma_wait3A_10 : memref<512xi32, #tpu.memory_space<hbm>>) dst(%arg5 : memref<512xi32, #tpu.memory_space<vmem>>)
      tpu.yield
    }) : () -> ()
    %dma_start3A = arith.constant 0 : i32
    %dma_start3A_3 = arith.constant 0 : i32
    %dma_start3A_4 = tpu.memref_slice %arg2[%dma_start3A, %dma_start3A_3] : memref<8192x128xf32, #tpu.memory_space<hbm>> -> memref<8192x128xf32, #tpu.memory_space<hbm>>
    tpu.enqueue_indirect_dma source(%dma_start3A_4 : memref<8192x128xf32, #tpu.memory_space<hbm>>) target(%arg6 : memref<512x128xf32, #tpu.memory_space<vmem>>) offsets(%arg5 : memref<512xi32, #tpu.memory_space<vmem>>) semaphore(%arg7 : memref<!tpu.dma_semaphore, #tpu.memory_space<semaphore_mem>>)
    %dma_wait3A = arith.constant 0 : i32
    %dma_wait3A_5 = arith.constant 0 : i32
    %dma_wait3A_6 = tpu.memref_slice %arg2[%dma_wait3A, %dma_wait3A_5] : memref<8192x128xf32, #tpu.memory_space<hbm>> -> memref<8192x128xf32, #tpu.memory_space<hbm>>
    tpu.wait_indirect_dma semaphore(%arg7 : memref<!tpu.dma_semaphore, #tpu.memory_space<semaphore_mem>>) src(%dma_wait3A_6 : memref<8192x128xf32, #tpu.memory_space<hbm>>) dst(%arg6 : memref<512x128xf32, #tpu.memory_space<vmem>>)
    "tpu.region"() ({
      %run_scoped3A = tpu.sem_alloc : memref<!tpu.dma_semaphore, #tpu.memory_space<semaphore_mem>>
      %dma_start3A_7 = arith.constant 0 : i32
      %dma_start3A_8 = tpu.memref_slice %arg4[%mul3A_2, %dma_start3A_7] : memref<16384x128xf32, #tpu.memory_space<hbm>> -> memref<512x128xf32, #tpu.memory_space<hbm>>
      %dma_start3A_9 = arith.constant 0 : i32
      %dma_start3A_10 = tpu.memref_slice %arg4[%mul3A_2, %dma_start3A_9] : memref<16384x128xf32, #tpu.memory_space<hbm>> -> memref<512x128xf32, #tpu.memory_space<hbm>>
      tpu.enqueue_dma source(%arg6 : memref<512x128xf32, #tpu.memory_space<vmem>>) target(%dma_start3A_10 : memref<512x128xf32, #tpu.memory_space<hbm>>) target_semaphore(%run_scoped3A : memref<!tpu.dma_semaphore, #tpu.memory_space<semaphore_mem>>)
      %dma_wait3A_11 = arith.constant 0 : i32
      %dma_wait3A_12 = tpu.memref_slice %arg4[%mul3A_2, %dma_wait3A_11] : memref<16384x128xf32, #tpu.memory_space<hbm>> -> memref<512x128xf32, #tpu.memory_space<hbm>>
      %dma_wait3A_13 = arith.constant 0 : i32
      %dma_wait3A_14 = tpu.memref_slice %arg4[%mul3A_2, %dma_wait3A_13] : memref<16384x128xf32, #tpu.memory_space<hbm>> -> memref<512x128xf32, #tpu.memory_space<hbm>>
      tpu.wait_dma2 semaphore(%run_scoped3A : memref<!tpu.dma_semaphore, #tpu.memory_space<semaphore_mem>>) src(%arg6 : memref<512x128xf32, #tpu.memory_space<vmem>>) dst(%dma_wait3A_14 : memref<512x128xf32, #tpu.memory_space<hbm>>)
      tpu.yield
    }) : () -> ()
    return
  }
}

module attributes {stable_mosaic.version = 14 : i64} {
  func.func @_enc_body(%arg0: i32, %arg1: memref<256x80xf32, #tpu.memory_space<vmem>>, %arg2: memref<80x256xf32, #tpu.memory_space<vmem>>, %arg3: memref<1x256xf32, #tpu.memory_space<vmem>>, %arg4: memref<256x256xf32, #tpu.memory_space<vmem>>, %arg5: memref<1x256xf32, #tpu.memory_space<vmem>>, %arg6: memref<256x32xf32, #tpu.memory_space<vmem>>, %arg7: memref<1x32xf32, #tpu.memory_space<vmem>>, %arg8: memref<256x32xf32, #tpu.memory_space<vmem>>) attributes {dimension_semantics = [#tpu.dimension_semantics<arbitrary>], iteration_bounds = array<i64: 64>, scalar_prefetch = 0 : i64, scratch_operands = 0 : i64, tpu.core_type = #tpu.core_type<tc>, window_params = [{transform_indices = @transform_0, window_bounds = array<i64: 256, 80>}, {pipeline_mode = #tpu.pipeline_mode<synchronous>, transform_indices = @transform_1, window_bounds = array<i64: 80, 256>}, {pipeline_mode = #tpu.pipeline_mode<synchronous>, transform_indices = @transform_2, window_bounds = array<i64: 1, 256>}, {pipeline_mode = #tpu.pipeline_mode<synchronous>, transform_indices = @transform_3, window_bounds = array<i64: 256, 256>}, {pipeline_mode = #tpu.pipeline_mode<synchronous>, transform_indices = @transform_4, window_bounds = array<i64: 1, 256>}, {pipeline_mode = #tpu.pipeline_mode<synchronous>, transform_indices = @transform_5, window_bounds = array<i64: 256, 32>}, {pipeline_mode = #tpu.pipeline_mode<synchronous>, transform_indices = @transform_6, window_bounds = array<i64: 1, 32>}, {transform_indices = @transform_7, window_bounds = array<i64: 256, 32>}]} {
    %get3A = arith.constant 0 : index
    %get3A_0 = arith.constant 0 : index
    %get3A_1 = vector.load %arg1[%get3A, %get3A_0] : memref<256x80xf32, #tpu.memory_space<vmem>>, vector<256x80xf32>
    %get3A_2 = arith.constant 0 : index
    %get3A_3 = arith.constant 0 : index
    %get3A_4 = vector.load %arg2[%get3A_2, %get3A_3] : memref<80x256xf32, #tpu.memory_space<vmem>>, vector<80x256xf32>
    %dot_general3A = arith.constant dense<0.000000e+00> : vector<256x256xf32>
    %dot_general3A_5 = tpu.matmul %get3A_1, %get3A_4, %dot_general3A {dimension_numbers = #tpu.dot_dimension_numbers<[1], [0], [0], [1], [0, 0, 1, 1], [], []>, transpose_lhs_hint = false} : vector<256x80xf32>, vector<80x256xf32>, vector<256x256xf32> -> vector<256x256xf32>
    %get3A_6 = arith.constant 0 : index
    %get3A_7 = arith.constant 0 : index
    %get3A_8 = vector.load %arg3[%get3A_6, %get3A_7] : memref<1x256xf32, #tpu.memory_space<vmem>>, vector<1x256xf32>
    %add3A = vector.broadcast %get3A_8 : vector<1x256xf32> to vector<256x256xf32>
    %add3A_9 = arith.addf %dot_general3A_5, %add3A : vector<256x256xf32>
    %max3A = arith.constant 0.000000e+00 : f32
    %max3A_10 = vector.broadcast %max3A : f32 to vector<256x256xf32>
    %max3A_11 = arith.maximumf %add3A_9, %max3A_10 : vector<256x256xf32>
    %get3A_12 = arith.constant 0 : index
    %get3A_13 = arith.constant 0 : index
    %get3A_14 = vector.load %arg4[%get3A_12, %get3A_13] : memref<256x256xf32, #tpu.memory_space<vmem>>, vector<256x256xf32>
    %dot_general3A_15 = arith.constant dense<0.000000e+00> : vector<256x256xf32>
    %dot_general3A_16 = tpu.matmul %max3A_11, %get3A_14, %dot_general3A_15 {dimension_numbers = #tpu.dot_dimension_numbers<[1], [0], [0], [1], [0, 0, 1, 1], [], []>, transpose_lhs_hint = false} : vector<256x256xf32>, vector<256x256xf32>, vector<256x256xf32> -> vector<256x256xf32>
    %get3A_17 = arith.constant 0 : index
    %get3A_18 = arith.constant 0 : index
    %get3A_19 = vector.load %arg5[%get3A_17, %get3A_18] : memref<1x256xf32, #tpu.memory_space<vmem>>, vector<1x256xf32>
    %add3A_20 = vector.broadcast %get3A_19 : vector<1x256xf32> to vector<256x256xf32>
    %add3A_21 = arith.addf %dot_general3A_16, %add3A_20 : vector<256x256xf32>
    %max3A_22 = arith.constant 0.000000e+00 : f32
    %max3A_23 = vector.broadcast %max3A_22 : f32 to vector<256x256xf32>
    %max3A_24 = arith.maximumf %add3A_21, %max3A_23 : vector<256x256xf32>
    %get3A_25 = arith.constant 0 : index
    %get3A_26 = arith.constant 0 : index
    %get3A_27 = vector.load %arg6[%get3A_25, %get3A_26] : memref<256x32xf32, #tpu.memory_space<vmem>>, vector<256x32xf32>
    %dot_general3A_28 = arith.constant dense<0.000000e+00> : vector<256x32xf32>
    %dot_general3A_29 = tpu.matmul %max3A_24, %get3A_27, %dot_general3A_28 {dimension_numbers = #tpu.dot_dimension_numbers<[1], [0], [0], [1], [0, 0, 1, 1], [], []>, transpose_lhs_hint = false} : vector<256x256xf32>, vector<256x32xf32>, vector<256x32xf32> -> vector<256x32xf32>
    %get3A_30 = arith.constant 0 : index
    %get3A_31 = arith.constant 0 : index
    %get3A_32 = vector.load %arg7[%get3A_30, %get3A_31] : memref<1x32xf32, #tpu.memory_space<vmem>>, vector<1x32xf32>
    %add3A_33 = vector.broadcast %get3A_32 : vector<1x32xf32> to vector<256x32xf32>
    %add3A_34 = arith.addf %dot_general3A_29, %add3A_33 : vector<256x32xf32>
    %swap3A = arith.constant 0 : index
    %swap3A_35 = arith.constant 0 : index
    %swap3A_36 = vector.load %arg8[%swap3A, %swap3A_35] : memref<256x32xf32, #tpu.memory_space<vmem>>, vector<256x32xf32>
    tpu.vector_store %arg8[%swap3A, %swap3A_35], %add3A_34 {strides = array<i32>} : memref<256x32xf32, #tpu.memory_space<vmem>>, vector<256x32xf32>,
    return
  }
  func.func @transform_0(%arg0: i32) -> (i32, i32) {
    %c0_i32 = arith.constant 0 : i32
    %c0_i32_0 = arith.constant 0 : i32
    return %arg0, %c0_i32 : i32, i32
  }
  func.func @transform_1(%arg0: i32) -> (i32, i32) {
    %c0_i32 = arith.constant 0 : i32
    %c0_i32_0 = arith.constant 0 : i32
    %c0_i32_1 = arith.constant 0 : i32
    return %c0_i32, %c0_i32_0 : i32, i32
  }
  func.func @transform_2(%arg0: i32) -> (i32, i32) {
    %c0_i32 = arith.constant 0 : i32
    %c0_i32_0 = arith.constant 0 : i32
    %c0_i32_1 = arith.constant 0 : i32
    return %c0_i32, %c0_i32_0 : i32, i32
  }
  func.func @transform_3(%arg0: i32) -> (i32, i32) {
    %c0_i32 = arith.constant 0 : i32
    %c0_i32_0 = arith.constant 0 : i32
    %c0_i32_1 = arith.constant 0 : i32
    return %c0_i32, %c0_i32_0 : i32, i32
  }
  func.func @transform_4(%arg0: i32) -> (i32, i32) {
    %c0_i32 = arith.constant 0 : i32
    %c0_i32_0 = arith.constant 0 : i32
    %c0_i32_1 = arith.constant 0 : i32
    return %c0_i32, %c0_i32_0 : i32, i32
  }
  func.func @transform_5(%arg0: i32) -> (i32, i32) {
    %c0_i32 = arith.constant 0 : i32
    %c0_i32_0 = arith.constant 0 : i32
    %c0_i32_1 = arith.constant 0 : i32
    return %c0_i32, %c0_i32_0 : i32, i32
  }
  func.func @transform_6(%arg0: i32) -> (i32, i32) {
    %c0_i32 = arith.constant 0 : i32
    %c0_i32_0 = arith.constant 0 : i32
    %c0_i32_1 = arith.constant 0 : i32
    return %c0_i32, %c0_i32_0 : i32, i32
  }
  func.func @transform_7(%arg0: i32) -> (i32, i32) {
    %c0_i32 = arith.constant 0 : i32
    %c0_i32_0 = arith.constant 0 : i32
    return %arg0, %c0_i32 : i32, i32
  }
}

module attributes {stable_mosaic.version = 14 : i64} {
  func.func @_vq_body(%arg0: i32, %arg1: memref<512x32xf32, #tpu.memory_space<vmem>>, %arg2: memref<512x1xf32, #tpu.memory_space<vmem>>, %arg3: memref<1x8192xf32, #tpu.memory_space<vmem>>, %arg4: memref<32x8192xf32, #tpu.memory_space<vmem>>, %arg5: memref<512x1xi32, #tpu.memory_space<vmem>>) attributes {dimension_semantics = [#tpu.dimension_semantics<arbitrary>], iteration_bounds = array<i64: 32>, scalar_prefetch = 0 : i64, scratch_operands = 0 : i64, tpu.core_type = #tpu.core_type<tc>, window_params = [{transform_indices = @transform_0, window_bounds = array<i64: 512, 32>}, {transform_indices = @transform_1, window_bounds = array<i64: 512, 1>}, {pipeline_mode = #tpu.pipeline_mode<synchronous>, transform_indices = @transform_2, window_bounds = array<i64: 1, 8192>}, {pipeline_mode = #tpu.pipeline_mode<synchronous>, transform_indices = @transform_3, window_bounds = array<i64: 32, 8192>}, {transform_indices = @transform_4, window_bounds = array<i64: 512, 1>}]} {
    %get3A = arith.constant 0 : index
    %get3A_0 = arith.constant 0 : index
    %get3A_1 = vector.load %arg1[%get3A, %get3A_0] : memref<512x32xf32, #tpu.memory_space<vmem>>, vector<512x32xf32>
    %get3A_2 = arith.constant 0 : index
    %get3A_3 = arith.constant 0 : index
    %get3A_4 = vector.load %arg4[%get3A_2, %get3A_3] : memref<32x8192xf32, #tpu.memory_space<vmem>>, vector<32x8192xf32>
    %dot_general3A = arith.constant dense<0.000000e+00> : vector<512x8192xf32>
    %dot_general3A_5 = tpu.matmul %get3A_1, %get3A_4, %dot_general3A {dimension_numbers = #tpu.dot_dimension_numbers<[1], [0], [0], [1], [0, 0, 1, 1], [], []>, transpose_lhs_hint = false} : vector<512x32xf32>, vector<32x8192xf32>, vector<512x8192xf32> -> vector<512x8192xf32>
    %get3A_6 = arith.constant 0 : index
    %get3A_7 = arith.constant 0 : index
    %get3A_8 = vector.load %arg2[%get3A_6, %get3A_7] : memref<512x1xf32, #tpu.memory_space<vmem>>, vector<512x1xf32>
    %get3A_9 = arith.constant 0 : index
    %get3A_10 = arith.constant 0 : index
    %get3A_11 = vector.load %arg3[%get3A_9, %get3A_10] : memref<1x8192xf32, #tpu.memory_space<vmem>>, vector<1x8192xf32>
    %add3A = vector.broadcast %get3A_8 : vector<512x1xf32> to vector<512x8192xf32>
    %add3A_12 = vector.broadcast %get3A_11 : vector<1x8192xf32> to vector<512x8192xf32>
    %add3A_13 = arith.addf %add3A, %add3A_12 : vector<512x8192xf32>
    %mul3A = arith.constant 2.000000e+00 : f32
    %mul3A_14 = vector.broadcast %mul3A : f32 to vector<512x8192xf32>
    %mul3A_15 = arith.mulf %mul3A_14, %dot_general3A_5 : vector<512x8192xf32>
    %sub3A = arith.subf %add3A_13, %mul3A_15 : vector<512x8192xf32>
    %iota3A = tpu.iota {dimensions = array<i32: 1>} : vector<512x4096xi32>
    %slice3A = vector.extract_strided_slice %sub3A {offsets = [0, 0], sizes = [512, 4096], strides = [1, 1]} : vector<512x8192xf32> to vector<512x4096xf32>
    %reduce_min3A = arith.constant dense<0x7F800000> : vector<512xf32>
    %reduce_min3A_16 = vector.multi_reduction <minimumf>, %slice3A, %reduce_min3A [1] : vector<512x4096xf32> to vector<512xf32>
    %broadcast_in_dim3A = vector.shape_cast %reduce_min3A_16 : vector<512xf32> to vector<512x1xf32>
    %eq3A = vector.broadcast %broadcast_in_dim3A : vector<512x1xf32> to vector<512x4096xf32>
    %eq3A_17 = arith.cmpf oeq, %slice3A, %eq3A : vector<512x4096xf32>
    %add3A_18 = arith.constant 0 : i32
    %add3A_19 = vector.broadcast %add3A_18 : i32 to vector<512x4096xi32>
    %add3A_20 = arith.addi %iota3A, %add3A_19 : vector<512x4096xi32>
    %jit3A = arith.constant 8192 : i32
    %broadcast_in_dim3A_21 = vector.broadcast %jit3A : i32 to vector<512x4096xi32>
    %select_n3A = arith.select %eq3A_17, %add3A_20, %broadcast_in_dim3A_21 : vector<512x4096xi1>, vector<512x4096xi32>
    %reduce_min3A_22 = arith.constant dense<2147483647> : vector<512xi32>
    %reduce_min3A_23 = vector.multi_reduction <minsi>, %select_n3A, %reduce_min3A_22 [1] : vector<512x4096xi32> to vector<512xi32>
    %broadcast_in_dim3A_24 = vector.shape_cast %reduce_min3A_23 : vector<512xi32> to vector<512x1xi32>
    %bitcast_convert_type3A = tpu.bitcast %broadcast_in_dim3A : vector<512x1xf32> -> vector<512x1xi32>
    %shift_right_arithmetic3A = arith.constant 16 : i32
    %shift_right_arithmetic3A_25 = vector.broadcast %shift_right_arithmetic3A : i32 to vector<512x1xi32>
    %shift_right_arithmetic3A_26 = arith.shrsi %bitcast_convert_type3A, %shift_right_arithmetic3A_25 : vector<512x1xi32>
    %and3A = arith.constant 1 : i32
    %and3A_27 = vector.broadcast %and3A : i32 to vector<512x1xi32>
    %and3A_28 = arith.andi %shift_right_arithmetic3A_26, %and3A_27 : vector<512x1xi32>
    %add3A_29 = arith.constant 32767 : i32
    %add3A_30 = vector.broadcast %add3A_29 : i32 to vector<512x1xi32>
    %add3A_31 = arith.addi %add3A_30, %and3A_28 : vector<512x1xi32>
    %add3A_32 = arith.addi %bitcast_convert_type3A, %add3A_31 : vector<512x1xi32>
    %and3A_33 = arith.constant -65536 : i32
    %and3A_34 = vector.broadcast %and3A_33 : i32 to vector<512x1xi32>
    %and3A_35 = arith.andi %add3A_32, %and3A_34 : vector<512x1xi32>
    %bitcast_convert_type3A_36 = tpu.bitcast %and3A_35 : vector<512x1xi32> -> vector<512x1xf32>
    %slice3A_37 = vector.extract_strided_slice %sub3A {offsets = [0, 4096], sizes = [512, 4096], strides = [1, 1]} : vector<512x8192xf32> to vector<512x4096xf32>
    %reduce_min3A_38 = arith.constant dense<0x7F800000> : vector<512xf32>
    %reduce_min3A_39 = vector.multi_reduction <minimumf>, %slice3A_37, %reduce_min3A_38 [1] : vector<512x4096xf32> to vector<512xf32>
    %broadcast_in_dim3A_40 = vector.shape_cast %reduce_min3A_39 : vector<512xf32> to vector<512x1xf32>
    %eq3A_41 = vector.broadcast %broadcast_in_dim3A_40 : vector<512x1xf32> to vector<512x4096xf32>
    %eq3A_42 = arith.cmpf oeq, %slice3A_37, %eq3A_41 : vector<512x4096xf32>
    %add3A_43 = arith.constant 4096 : i32
    %add3A_44 = vector.broadcast %add3A_43 : i32 to vector<512x4096xi32>
    %add3A_45 = arith.addi %iota3A, %add3A_44 : vector<512x4096xi32>
    %jit3A_46 = arith.constant 8192 : i32
    %broadcast_in_dim3A_47 = vector.broadcast %jit3A_46 : i32 to vector<512x4096xi32>
    %select_n3A_48 = arith.select %eq3A_42, %add3A_45, %broadcast_in_dim3A_47 : vector<512x4096xi1>, vector<512x4096xi32>
    %reduce_min3A_49 = arith.constant dense<2147483647> : vector<512xi32>
    %reduce_min3A_50 = vector.multi_reduction <minsi>, %select_n3A_48, %reduce_min3A_49 [1] : vector<512x4096xi32> to vector<512xi32>
    %broadcast_in_dim3A_51 = vector.shape_cast %reduce_min3A_50 : vector<512xi32> to vector<512x1xi32>
    %lt3A = arith.cmpf olt, %broadcast_in_dim3A_40, %bitcast_convert_type3A_36 : vector<512x1xf32>
    %select_n3A_52 = arith.select %lt3A, %broadcast_in_dim3A_51, %broadcast_in_dim3A_24 : vector<512x1xi1>, vector<512x1xi32>
    %swap3A = arith.constant 0 : index
    %swap3A_53 = arith.constant 0 : index
    %swap3A_54 = vector.load %arg5[%swap3A, %swap3A_53] : memref<512x1xi32, #tpu.memory_space<vmem>>, vector<512x1xi32>
    tpu.vector_store %arg5[%swap3A, %swap3A_53], %select_n3A_52 {strides = array<i32>} : memref<512x1xi32, #tpu.memory_space<vmem>>, vector<512x1xi32>,
    return
  }
  func.func @transform_0(%arg0: i32) -> (i32, i32) {
    %c0_i32 = arith.constant 0 : i32
    %c0_i32_0 = arith.constant 0 : i32
    return %arg0, %c0_i32 : i32, i32
  }
  func.func @transform_1(%arg0: i32) -> (i32, i32) {
    %c0_i32 = arith.constant 0 : i32
    %c0_i32_0 = arith.constant 0 : i32
    return %arg0, %c0_i32 : i32, i32
  }
  func.func @transform_2(%arg0: i32) -> (i32, i32) {
    %c0_i32 = arith.constant 0 : i32
    %c0_i32_0 = arith.constant 0 : i32
    %c0_i32_1 = arith.constant 0 : i32
    return %c0_i32, %c0_i32_0 : i32, i32
  }
  func.func @transform_3(%arg0: i32) -> (i32, i32) {
    %c0_i32 = arith.constant 0 : i32
    %c0_i32_0 = arith.constant 0 : i32
    %c0_i32_1 = arith.constant 0 : i32
    return %c0_i32, %c0_i32_0 : i32, i32
  }
  func.func @transform_4(%arg0: i32) -> (i32, i32) {
    %c0_i32 = arith.constant 0 : i32
    %c0_i32_0 = arith.constant 0 : i32
    return %arg0, %c0_i32 : i32, i32
  }
}

module attributes {stable_mosaic.version = 14 : i64} {
  func.func @_dec_body(%arg0: i32, %arg1: memref<256x32xf32, #tpu.memory_space<vmem>>, %arg2: memref<256x128xf32, #tpu.memory_space<vmem>>, %arg3: memref<256x64xf32, #tpu.memory_space<vmem>>, %arg4: memref<256x16xf32, #tpu.memory_space<vmem>>, %arg5: memref<48x256xf32, #tpu.memory_space<vmem>>, %arg6: memref<1x256xf32, #tpu.memory_space<vmem>>, %arg7: memref<256x256xf32, #tpu.memory_space<vmem>>, %arg8: memref<1x256xf32, #tpu.memory_space<vmem>>, %arg9: memref<256x64xf32, #tpu.memory_space<vmem>>, %arg10: memref<1x64xf32, #tpu.memory_space<vmem>>, %arg11: memref<256x64xf32, #tpu.memory_space<vmem>>, %arg12: memref<256x32xf32, #tpu.memory_space<vmem>>, %arg13: memref<1x1xf32, #tpu.memory_space<vmem>>, %arg14: memref<1x1xf32, #tpu.memory_space<vmem>>) attributes {dimension_semantics = [#tpu.dimension_semantics<arbitrary>], iteration_bounds = array<i64: 64>, scalar_prefetch = 0 : i64, scratch_operands = 0 : i64, tpu.core_type = #tpu.core_type<tc>, window_params = [{transform_indices = @transform_0, window_bounds = array<i64: 256, 32>}, {transform_indices = @transform_1, window_bounds = array<i64: 256, 128>}, {transform_indices = @transform_2, window_bounds = array<i64: 256, 64>}, {transform_indices = @transform_3, window_bounds = array<i64: 256, 16>}, {pipeline_mode = #tpu.pipeline_mode<synchronous>, transform_indices = @transform_4, window_bounds = array<i64: 48, 256>}, {pipeline_mode = #tpu.pipeline_mode<synchronous>, transform_indices = @transform_5, window_bounds = array<i64: 1, 256>}, {pipeline_mode = #tpu.pipeline_mode<synchronous>, transform_indices = @transform_6, window_bounds = array<i64: 256, 256>}, {pipeline_mode = #tpu.pipeline_mode<synchronous>, transform_indices = @transform_7, window_bounds = array<i64: 1, 256>}, {pipeline_mode = #tpu.pipeline_mode<synchronous>, transform_indices = @transform_8, window_bounds = array<i64: 256, 64>}, {pipeline_mode = #tpu.pipeline_mode<synchronous>, transform_indices = @transform_9, window_bounds = array<i64: 1, 64>}, {transform_indices = @transform_10, window_bounds = array<i64: 256, 64>}, {transform_indices = @transform_11, window_bounds = array<i64: 256, 32>}, {pipeline_mode = #tpu.pipeline_mode<synchronous>, transform_indices = @transform_12, window_bounds = array<i64: 1, 1>}, {pipeline_mode = #tpu.pipeline_mode<synchronous>, transform_indices = @transform_13, window_bounds = array<i64: 1, 1>}]} {
    %get3A = arith.constant 0 : index
    %get3A_0 = arith.constant 0 : index
    %get3A_1 = vector.load %arg1[%get3A, %get3A_0] : memref<256x32xf32, #tpu.memory_space<vmem>>, vector<256x32xf32>
    %get3A_2 = arith.constant 0 : index
    %get3A_3 = arith.constant 0 : index
    %get3A_4 = vector.load %arg2[%get3A_2, %get3A_3] : memref<256x128xf32, #tpu.memory_space<vmem>>, vector<256x32xf32>
    %sub3A = arith.subf %get3A_4, %get3A_1 : vector<256x32xf32>
    %add3A = arith.addf %get3A_1, %sub3A : vector<256x32xf32>
    %swap3A = arith.constant 0 : index
    %swap3A_5 = arith.constant 0 : index
    %swap3A_6 = vector.load %arg12[%swap3A, %swap3A_5] : memref<256x32xf32, #tpu.memory_space<vmem>>, vector<256x32xf32>
    tpu.vector_store %arg12[%swap3A, %swap3A_5], %add3A {strides = array<i32>} : memref<256x32xf32, #tpu.memory_space<vmem>>, vector<256x32xf32>,
    %sub3A_7 = arith.subf %get3A_1, %get3A_4 : vector<256x32xf32>
    %get3A_8 = arith.constant 0 : index
    %get3A_9 = arith.constant 0 : index
    %get3A_10 = vector.load %arg4[%get3A_8, %get3A_9] : memref<256x16xf32, #tpu.memory_space<vmem>>, vector<256x16xf32>
    %concatenate3A = tpu.concatenate %add3A, %get3A_10 in 1 : vector<256x32xf32>, vector<256x16xf32> -> vector<256x48xf32>
    %get3A_11 = arith.constant 0 : index
    %get3A_12 = arith.constant 0 : index
    %get3A_13 = vector.load %arg5[%get3A_11, %get3A_12] : memref<48x256xf32, #tpu.memory_space<vmem>>, vector<48x256xf32>
    %dot_general3A = arith.constant dense<0.000000e+00> : vector<256x256xf32>
    %dot_general3A_14 = tpu.matmul %concatenate3A, %get3A_13, %dot_general3A {dimension_numbers = #tpu.dot_dimension_numbers<[1], [0], [0], [1], [0, 0, 1, 1], [], []>, transpose_lhs_hint = false} : vector<256x48xf32>, vector<48x256xf32>, vector<256x256xf32> -> vector<256x256xf32>
    %get3A_15 = arith.constant 0 : index
    %get3A_16 = arith.constant 0 : index
    %get3A_17 = vector.load %arg6[%get3A_15, %get3A_16] : memref<1x256xf32, #tpu.memory_space<vmem>>, vector<1x256xf32>
    %add3A_18 = vector.broadcast %get3A_17 : vector<1x256xf32> to vector<256x256xf32>
    %add3A_19 = arith.addf %dot_general3A_14, %add3A_18 : vector<256x256xf32>
    %max3A = arith.constant 0.000000e+00 : f32
    %max3A_20 = vector.broadcast %max3A : f32 to vector<256x256xf32>
    %max3A_21 = arith.maximumf %add3A_19, %max3A_20 : vector<256x256xf32>
    %get3A_22 = arith.constant 0 : index
    %get3A_23 = arith.constant 0 : index
    %get3A_24 = vector.load %arg7[%get3A_22, %get3A_23] : memref<256x256xf32, #tpu.memory_space<vmem>>, vector<256x256xf32>
    %dot_general3A_25 = arith.constant dense<0.000000e+00> : vector<256x256xf32>
    %dot_general3A_26 = tpu.matmul %max3A_21, %get3A_24, %dot_general3A_25 {dimension_numbers = #tpu.dot_dimension_numbers<[1], [0], [0], [1], [0, 0, 1, 1], [], []>, transpose_lhs_hint = false} : vector<256x256xf32>, vector<256x256xf32>, vector<256x256xf32> -> vector<256x256xf32>
    %get3A_27 = arith.constant 0 : index
    %get3A_28 = arith.constant 0 : index
    %get3A_29 = vector.load %arg8[%get3A_27, %get3A_28] : memref<1x256xf32, #tpu.memory_space<vmem>>, vector<1x256xf32>
    %add3A_30 = vector.broadcast %get3A_29 : vector<1x256xf32> to vector<256x256xf32>
    %add3A_31 = arith.addf %dot_general3A_26, %add3A_30 : vector<256x256xf32>
    %max3A_32 = arith.constant 0.000000e+00 : f32
    %max3A_33 = vector.broadcast %max3A_32 : f32 to vector<256x256xf32>
    %max3A_34 = arith.maximumf %add3A_31, %max3A_33 : vector<256x256xf32>
    %get3A_35 = arith.constant 0 : index
    %get3A_36 = arith.constant 0 : index
    %get3A_37 = vector.load %arg9[%get3A_35, %get3A_36] : memref<256x64xf32, #tpu.memory_space<vmem>>, vector<256x64xf32>
    %dot_general3A_38 = arith.constant dense<0.000000e+00> : vector<256x64xf32>
    %dot_general3A_39 = tpu.matmul %max3A_34, %get3A_37, %dot_general3A_38 {dimension_numbers = #tpu.dot_dimension_numbers<[1], [0], [0], [1], [0, 0, 1, 1], [], []>, transpose_lhs_hint = false} : vector<256x256xf32>, vector<256x64xf32>, vector<256x64xf32> -> vector<256x64xf32>
    %get3A_40 = arith.constant 0 : index
    %get3A_41 = arith.constant 0 : index
    %get3A_42 = vector.load %arg10[%get3A_40, %get3A_41] : memref<1x64xf32, #tpu.memory_space<vmem>>, vector<1x64xf32>
    %add3A_43 = vector.broadcast %get3A_42 : vector<1x64xf32> to vector<256x64xf32>
    %add3A_44 = arith.addf %dot_general3A_39, %add3A_43 : vector<256x64xf32>
    %swap3A_45 = arith.constant 0 : index
    %swap3A_46 = arith.constant 0 : index
    %swap3A_47 = vector.load %arg11[%swap3A_45, %swap3A_46] : memref<256x64xf32, #tpu.memory_space<vmem>>, vector<256x64xf32>
    tpu.vector_store %arg11[%swap3A_45, %swap3A_46], %add3A_44 {strides = array<i32>} : memref<256x64xf32, #tpu.memory_space<vmem>>, vector<256x64xf32>,
    %get3A_48 = arith.constant 0 : index
    %get3A_49 = arith.constant 0 : index
    %get3A_50 = vector.load %arg3[%get3A_48, %get3A_49] : memref<256x64xf32, #tpu.memory_space<vmem>>, vector<256x64xf32>
    %sub3A_51 = arith.subf %add3A_44, %get3A_50 : vector<256x64xf32>
    %mul3A = arith.mulf %sub3A_7, %sub3A_7 : vector<256x32xf32>
    %reduce_sum3A = vector.shape_cast %mul3A : vector<256x32xf32> to vector<1x256x32xf32>
    %reduce_sum3A_52 = arith.constant dense<0.000000e+00> : vector<1xf32>
    %reduce_sum3A_53 = vector.multi_reduction <add>, %reduce_sum3A, %reduce_sum3A_52 [1, 2] : vector<1x256x32xf32> to vector<1xf32>
    %reduce_sum3A_54 = vector.shape_cast %reduce_sum3A_53 : vector<1xf32> to vector<1x1x1xf32>
    %reduce_sum3A_55 = vector.extract %reduce_sum3A_54[0, 0, 0] : f32 from vector<1x1x1xf32>
    %reshape3A = vector.broadcast %reduce_sum3A_55 : f32 to vector<1x1xf32>
    %mul3A_56 = arith.mulf %sub3A_51, %sub3A_51 : vector<256x64xf32>
    %reduce_sum3A_57 = vector.shape_cast %mul3A_56 : vector<256x64xf32> to vector<1x256x64xf32>
    %reduce_sum3A_58 = arith.constant dense<0.000000e+00> : vector<1xf32>
    %reduce_sum3A_59 = vector.multi_reduction <add>, %reduce_sum3A_57, %reduce_sum3A_58 [1, 2] : vector<1x256x64xf32> to vector<1xf32>
    %reduce_sum3A_60 = vector.shape_cast %reduce_sum3A_59 : vector<1xf32> to vector<1x1x1xf32>
    %reduce_sum3A_61 = vector.extract %reduce_sum3A_60[0, 0, 0] : f32 from vector<1x1x1xf32>
    %reshape3A_62 = vector.broadcast %reduce_sum3A_61 : f32 to vector<1x1xf32>
    %eq3A = arith.constant 0 : i32
    %eq3A_63 = arith.cmpi eq, %arg0, %eq3A : i32
    %convert_element_type3A = arith.extui %eq3A_63 : i1 to i32
    %cond3A = arith.constant 0 : i32
    %cond3A_64 = arith.cmpi ne, %convert_element_type3A, %cond3A : i32
    scf.if %cond3A_64 {
      %broadcast_in_dim3A = arith.constant 0.000000e+00 : f32
      %broadcast_in_dim3A_79 = vector.broadcast %broadcast_in_dim3A : f32 to vector<1x1xf32>
      %swap3A_80 = arith.constant 0 : index
      %swap3A_81 = arith.constant 0 : index
      %swap3A_82 = vector.load %arg13[%swap3A_80, %swap3A_81] : memref<1x1xf32, #tpu.memory_space<vmem>>, vector<1x1xf32>
      tpu.vector_store %arg13[%swap3A_80, %swap3A_81], %broadcast_in_dim3A_79 {strides = array<i32>} : memref<1x1xf32, #tpu.memory_space<vmem>>, vector<1x1xf32>,
      %broadcast_in_dim3A_83 = arith.constant 0.000000e+00 : f32
      %broadcast_in_dim3A_84 = vector.broadcast %broadcast_in_dim3A_83 : f32 to vector<1x1xf32>
      %swap3A_85 = arith.constant 0 : index
      %swap3A_86 = arith.constant 0 : index
      %swap3A_87 = vector.load %arg14[%swap3A_85, %swap3A_86] : memref<1x1xf32, #tpu.memory_space<vmem>>, vector<1x1xf32>
      tpu.vector_store %arg14[%swap3A_85, %swap3A_86], %broadcast_in_dim3A_84 {strides = array<i32>} : memref<1x1xf32, #tpu.memory_space<vmem>>, vector<1x1xf32>,
    } else {
    }
    %get3A_65 = arith.constant 0 : index
    %get3A_66 = arith.constant 0 : index
    %get3A_67 = vector.load %arg13[%get3A_65, %get3A_66] : memref<1x1xf32, #tpu.memory_space<vmem>>, vector<1x1xf32>
    %add3A_68 = arith.addf %get3A_67, %reshape3A : vector<1x1xf32>
    %swap3A_69 = arith.constant 0 : index
    %swap3A_70 = arith.constant 0 : index
    %swap3A_71 = vector.load %arg13[%swap3A_69, %swap3A_70] : memref<1x1xf32, #tpu.memory_space<vmem>>, vector<1x1xf32>
    tpu.vector_store %arg13[%swap3A_69, %swap3A_70], %add3A_68 {strides = array<i32>} : memref<1x1xf32, #tpu.memory_space<vmem>>, vector<1x1xf32>,
    %get3A_72 = arith.constant 0 : index
    %get3A_73 = arith.constant 0 : index
    %get3A_74 = vector.load %arg14[%get3A_72, %get3A_73] : memref<1x1xf32, #tpu.memory_space<vmem>>, vector<1x1xf32>
    %add3A_75 = arith.addf %get3A_74, %reshape3A_62 : vector<1x1xf32>
    %swap3A_76 = arith.constant 0 : index
    %swap3A_77 = arith.constant 0 : index
    %swap3A_78 = vector.load %arg14[%swap3A_76, %swap3A_77] : memref<1x1xf32, #tpu.memory_space<vmem>>, vector<1x1xf32>
    tpu.vector_store %arg14[%swap3A_76, %swap3A_77], %add3A_75 {strides = array<i32>} : memref<1x1xf32, #tpu.memory_space<vmem>>, vector<1x1xf32>,
    return
  }
  func.func @transform_0(%arg0: i32) -> (i32, i32) {
    %c0_i32 = arith.constant 0 : i32
    %c0_i32_0 = arith.constant 0 : i32
    return %arg0, %c0_i32 : i32, i32
  }
  func.func @transform_1(%arg0: i32) -> (i32, i32) {
    %c0_i32 = arith.constant 0 : i32
    %c0_i32_0 = arith.constant 0 : i32
    return %arg0, %c0_i32 : i32, i32
  }
  func.func @transform_2(%arg0: i32) -> (i32, i32) {
    %c0_i32 = arith.constant 0 : i32
    %c0_i32_0 = arith.constant 0 : i32
    return %arg0, %c0_i32 : i32, i32
  }
  func.func @transform_3(%arg0: i32) -> (i32, i32) {
    %c0_i32 = arith.constant 0 : i32
    %c0_i32_0 = arith.constant 0 : i32
    return %arg0, %c0_i32 : i32, i32
  }
  func.func @transform_4(%arg0: i32) -> (i32, i32) {
    %c0_i32 = arith.constant 0 : i32
    %c0_i32_0 = arith.constant 0 : i32
    %c0_i32_1 = arith.constant 0 : i32
    return %c0_i32, %c0_i32_0 : i32, i32
  }
  func.func @transform_5(%arg0: i32) -> (i32, i32) {
    %c0_i32 = arith.constant 0 : i32
    %c0_i32_0 = arith.constant 0 : i32
    %c0_i32_1 = arith.constant 0 : i32
    return %c0_i32, %c0_i32_0 : i32, i32
  }
  func.func @transform_6(%arg0: i32) -> (i32, i32) {
    %c0_i32 = arith.constant 0 : i32
    %c0_i32_0 = arith.constant 0 : i32
    %c0_i32_1 = arith.constant 0 : i32
    return %c0_i32, %c0_i32_0 : i32, i32
  }
  func.func @transform_7(%arg0: i32) -> (i32, i32) {
    %c0_i32 = arith.constant 0 : i32
    %c0_i32_0 = arith.constant 0 : i32
    %c0_i32_1 = arith.constant 0 : i32
    return %c0_i32, %c0_i32_0 : i32, i32
  }
  func.func @transform_8(%arg0: i32) -> (i32, i32) {
    %c0_i32 = arith.constant 0 : i32
    %c0_i32_0 = arith.constant 0 : i32
    %c0_i32_1 = arith.constant 0 : i32
    return %c0_i32, %c0_i32_0 : i32, i32
  }
  func.func @transform_9(%arg0: i32) -> (i32, i32) {
    %c0_i32 = arith.constant 0 : i32
    %c0_i32_0 = arith.constant 0 : i32
    %c0_i32_1 = arith.constant 0 : i32
    return %c0_i32, %c0_i32_0 : i32, i32
  }
  func.func @transform_10(%arg0: i32) -> (i32, i32) {
    %c0_i32 = arith.constant 0 : i32
    %c0_i32_0 = arith.constant 0 : i32
    return %arg0, %c0_i32 : i32, i32
  }
  func.func @transform_11(%arg0: i32) -> (i32, i32) {
    %c0_i32 = arith.constant 0 : i32
    %c0_i32_0 = arith.constant 0 : i32
    return %arg0, %c0_i32 : i32, i32
  }
  func.func @transform_12(%arg0: i32) -> (i32, i32) {
    %c0_i32 = arith.constant 0 : i32
    %c0_i32_0 = arith.constant 0 : i32
    %c0_i32_1 = arith.constant 0 : i32
    return %c0_i32, %c0_i32_0 : i32, i32
  }
  func.func @transform_13(%arg0: i32) -> (i32, i32) {
    %c0_i32 = arith.constant 0 : i32
    %c0_i32_0 = arith.constant 0 : i32
    %c0_i32_1 = arith.constant 0 : i32
    return %c0_i32, %c0_i32_0 : i32, i32
  }
}

</mosaic_0001>

<sc_bundles>
// kernel: kernel.6.cloned.1.call-start
scs
__scs_entry_jumppad:
0x0: {  	(pc) =	sbr.rel $0x88, $3  }
0x1: {  	(tag) =	ssettag $0x0;
	lr =	simm.s32 $0x1  }
0x2: {  	[smem:$0x3F92] =	sst lr;
	_ =	strace $0xD0000000  }
0x3: {  	_ = 	snop  }
0x4: {  	_ = 	snop  }
0x5: {  	_ = 	snop  }
0x6: {  	_ = 	snop  }
0x7: {  	_ = 	snop  }
__scs_overlays_trampoline_lowered:
0x8: {  	[smem:$0x3FA1] =	sst s0  }
0x9: {  	[smem:$0x3FA2] =	sst s1  }
0xa: {  	[smem:$0x3FA3] =	sst s2  }
0xb: {  	[smem:$0x3FA4] =	sst s3  }
0xc: {  	[smem:$0x3FA5] =	sst s4  }
0xd: {  	[smem:$0x3FA6] =	sst s5  }
0xe: {  	[smem:$0x3FA7] =	sst s6  }
0xf: {  	[smem:$0x3FA8] =	sst s7  }
0x10: {  	[smem:$0x3FA9] =	sst s8  }
0x11: {  	[smem:$0x3FAA] =	sst s9;
	s0 =	simm.s32 @!p0 $0x0  }
0x12: {  	s1 =	sld [smem:$0x3F90];
	s0 =	simm.s32 @p0 $0x1  }
0x13: {  	[smem:$0x3FAB] =	sst s0;
	s0 =	simm.s32 @!p1 $0x0  }
0x14: {  	s2 =	sld [smem:$0x3F8F];
	s0 =	simm.s32 @p1 $0x1  }
0x15: {  	[smem:$0x3FAC] =	sst s0;
	s0 =	simm.s32 @!p2 $0x0  }
0x16: {  	s3 =	sld [smem:$0x3FDB];
	s0 =	simm.s32 @p2 $0x1  }
0x17: {  	s4 =	simm.s32 $0x1BF5;
	[smem:$0x3FAE] =	sst s0  }
0x18: {  	s0 =	sld [smem:$0x3F91];
	_ =	swait.ge [sflag:s4], $0x0  }
0x19: {  	s7 =	sld [smem:$0x3F92]  }
0x1a: {  	s8 =	sadd.s32 $0xFFFFE003, lr  }
0x1b: {  	s9 =	sadd.s32 $0xFFFFFEF7, lr;
	s5 =	simm.s32 $0xFFFFFFFF;
	p2 =	slt.u32 s8, $0xFFFFF086  }
0x1c: {  	p1 =	slt.u32 s9, $0xF7A;
	s5 =	simm.s32 @!p2 $0x0  }
0x1d: {  	s5 =	simm.s32 @p1 $0x1;
	p0 =	seq.s32 s7, s2  }
0x1e: {  	s7 =	smul.u32 @!p0 $0xF7A, s2;
	p2 =	seq.s32 @!p0 s5, $0x0  }
0x1f: {  	s9 =	smul.u32 $0xF7A, s1;
	s8 =	simm.s32 @!p0 $0x1BF5;
	p2 =	por !p2, p0  }
0x20: {  	[sflag:s8] =	ssyncset.s32 @!p0 $0xFFFFF086;
	s6 =	sadd.s32 @!p0 s3, s7;
	s7 =	simm.s32 @!p0 $0x108  }
0x21: {  	s3 =	sadd.s32 s3, s9;
	s6 =	sadd.s32 @!p0 $0x88, s6;
	s7 =	simm.s32 @p2 $0x1082  }
0x22: {  	[simem:s7], [sflag:s8] =	dma.local @!p0 [hbm:s6], $0xF7A  }
0x23: {  	s9 =	sor.u32 $0xD0000000, s2;
	s6 =	simm.s32 $0x108;
	_ =	swait.ge @!p0 [sflag:s8], $0x0  }
0x24: {  	s3 =	sadd.s32 $0x88, s3;
	s6 =	simm.s32 @!p1 $0x1082;
	[sflag:s4] =	ssyncset.s32 $0xFFFFF086  }
0x25: {  	[simem:s6], [sflag:s4] =	dma.local [hbm:s3], $0xF7A  }
0x26: {  	[smem:$0x3F92] =	sst s1;
	(tag) =	ssettag s2;
	_ =	strace s9  }
0x27: {  	s1 =	sld [smem:$0x3FA2]  }
0x28: {  	s2 =	sld [smem:$0x3FA3]  }
0x29: {  	s4 =	sld [smem:$0x3FA5]  }
0x2a: {  	p0 =	seq.s32 s5, $0x0;
	s5 =	sld [smem:$0x3FA6]  }
0x2b: {  	s6 =	sld [smem:$0x3FA7]  }
0x2c: {  	s7 =	sld [smem:$0x3FA8]  }
0x2d: {  	s3 =	simm.s32 $0x108;
	s8 =	sld [smem:$0x3FA9]  }
0x2e: {  	s3 =	simm.s32 @!p0 $0x1082;
	s9 =	sld [smem:$0x3FAA]  }
0x2f: {  	lr =	sadd.s32 s0, s3;
	s0 =	sld [smem:$0x3FA1]  }
0x30: {  	s3 =	sld [smem:$0x3FA4]  }
0x31: {  	[smem:$0x3FAD] =	sst s10  }
0x32: {  	s10 =	sld [smem:$0x3FAB];
	_ =	sdelay $0x3  }
0x33: {  	p0 =	seq.s32 s10, $0x1;
	s10 =	sld [smem:$0x3FAD];
	_ =	sdelay $0x3  }
0x34: {  	[smem:$0x3FAD] =	sst s10  }
0x35: {  	s10 =	sld [smem:$0x3FAC];
	_ =	sdelay $0x3  }
0x36: {  	p1 =	seq.s32 s10, $0x1;
	s10 =	sld [smem:$0x3FAD];
	_ =	sdelay $0x3  }
0x37: {  	[smem:$0x3FAD] =	sst s10  }
0x38: {  	s10 =	sld [smem:$0x3FAE]  }
0x39: {  	_ = 	snop;
	(pc) =	sbr.ind lr, $3  }
0x3a: {  	_ = 	snop  }
0x3b: {  	_ = 	snop  }
0x3c: {  	p2 =	seq.s32 s10, $0x1;
	s10 =	sld [smem:$0x3FAD]  }
0x3d: {  	_ =	shalt  }
0x3e: {  	_ =	shalt  }
0x3f: {  	_ =	shalt  }
0x40: {  	_ =	shalt  }
0x41: {  	_ =	shalt  }
0x42: {  	_ =	shalt  }
0x43: {  	_ =	shalt  }
0x44: {  	_ =	shalt  }
0x45: {  	_ =	shalt  }
0x46: {  	_ =	shalt  }
0x47: {  	_ =	shalt  }
0x48: {  	_ =	shalt  }
0x49: {  	_ =	shalt  }
0x4a: {  	_ =	shalt  }
0x4b: {  	_ =	shalt  }
0x4c: {  	_ =	shalt  }
0x4d: {  	_ =	shalt  }
0x4e: {  	_ =	shalt  }
0x4f: {  	_ =	shalt  }
0x50: {  	_ =	shalt  }
0x51: {  	_ =	shalt  }
0x52: {  	_ =	shalt  }
0x53: {  	_ =	shalt  }
0x54: {  	_ =	shalt  }
0x55: {  	_ =	shalt  }
0x56: {  	_ =	shalt  }
0x57: {  	_ =	shalt  }
0x58: {  	_ =	shalt  }
0x59: {  	_ =	shalt  }
0x5a: {  	_ =	shalt  }
0x5b: {  	_ =	shalt  }
0x5c: {  	_ =	shalt  }
0x5d: {  	_ =	shalt  }
0x5e: {  	_ =	shalt  }
0x5f: {  	_ =	shalt  }
0x60: {  	_ =	shalt  }
0x61: {  	_ =	shalt  }
0x62: {  	_ =	shalt  }
0x63: {  	_ =	shalt  }
0x64: {  	_ =	shalt  }
0x65: {  	_ =	shalt  }
0x66: {  	_ =	shalt  }
0x67: {  	_ =	shalt  }
0x68: {  	_ =	shalt  }
0x69: {  	_ =	shalt  }
0x6a: {  	_ =	shalt  }
0x6b: {  	_ =	shalt  }
0x6c: {  	_ =	shalt  }
0x6d: {  	_ =	shalt  }
0x6e: {  	_ =	shalt  }
0x6f: {  	_ =	shalt  }
0x70: {  	_ =	shalt  }
0x71: {  	_ =	shalt  }
0x72: {  	_ =	shalt  }
0x73: {  	_ =	shalt  }
0x74: {  	_ =	shalt  }
0x75: {  	_ =	shalt  }
0x76: {  	_ =	shalt  }
0x77: {  	_ =	shalt  }
0x78: {  	_ =	shalt  }
0x79: {  	_ =	shalt  }
0x7a: {  	_ =	shalt  }
0x7b: {  	_ =	shalt  }
0x7c: {  	_ =	shalt  }
0x7d: {  	_ =	shalt  }
0x7e: {  	_ =	shalt  }
0x7f: {  	_ =	shalt  }
0x80: {  	_ =	shalt  }
0x81: {  	_ =	shalt  }
0x82: {  	_ =	shalt  }
0x83: {  	_ =	shalt  }
0x84: {  	_ =	shalt  }
0x85: {  	_ =	shalt  }
0x86: {  	_ =	shalt  }
0x87: {  	_ =	shalt  }
.Lfunc_end0:
.L_simem_size_0:
called_computation_lowered:
.L_overlay_start_0:
0x88: {  	s2 =	sld [smem:$0x3FD9]  }
0x89: {  	s3 =	sld [smem:$0x3FFE];
	_ =	sdelay $0x1  }
0x8a: {  	s1 =	srdreg.scid  }
0x8b: {  	s0 =	sand.u32 $0x1, s1  }
0x8c: {  	s14 =	sshll.u32 s0, $0xA;
	s2 =	sadd.s32 s3, s2  }
0x8d: {  	s2 =	sadd.s32 s2, s14  }
0x8e: {  	[smem:$0x3FB9] =	sst s2  }
0x8f: {  	_ = 	snop  }
0x90: {  	s2 =	sld [smem:$0x3FD0];
	_ =	sdelay $0x2  }
0x91: {  	s15 =	simm.s32 $0xA;
	s4 =	simm.s32 $0x10  }
0x92: {  	[smem:s4], [sflag:s15] =	dma.local [hbm:s2], $0x1  }
0x93: {  	_ =	swait.eq [sflag:s15], $0x1  }
0x94: {  	[sflag:s15] =	ssyncset.done $0x0  }
0x95: {  	s16 =	sld [smem:$0x10];
	[sflag:s15] =	ssyncadd.s32 $0xFFFFFFFF  }
0x96: {  	s17 =	sld [smem:$0x12];
	(tm) =	ssettm $0x1  }
0x97: {  	s18 =	sld [smem:$0x3FFB];
	_ =	sdelay $0x3  }
0x98: {  	_ =	strace s18  }
0x99: {  	s4 =	sld [smem:$0x3FFC];
	_ =	sdelay $0x3  }
0x9a: {  	_ =	strace s4  }
0x9b: {  	s4 =	sld [smem:$0x3FFD];
	_ =	sdelay $0x3  }
0x9c: {  	_ =	strace s4  }
0x9d: {  	_ =	strace $0x8FFFFFFF  }
0x9e: {  	s19 =	sld [smem:$0x3FDB];
	_ =	sdelay $0x1  }
0x9f: {  	s5 =	simm.s32 $_scs_section_size  }
0xa0: {  	s6 =	simm.s32 $_size__tile_overlayer_lowered;
	s7 =	simm.s32 $_tile_overlayer_lowered  }
0xa1: {  	s22 =	simm.s32 $0x1BFF;
	s21 =	sshll.u32 s7, $0x1;
	s4 =	sadd.s32 s5, s19  }
0xa2: {  	s8 =	simm.s32 $0x0;
	s20 =	sshll.u32 s6, $0x1;
	s6 =	sadd.s32 s21, s4  }
0xa3: {  	[timem:s8], [sflag:s22] =	dma.local [hbm:s6], s20  }
0xa4: {  	_ =	swait.ge [sflag:s22], s20  }
0xa5: {  	s5 =	ssub.s32 $0x0, s20;
	[sflag:s22] =	ssyncset.done $0x0  }
0xa6: {  	[sflag:s22] =	ssyncadd.s32 s5;
	_ =	sdelay $0x1  }
0xa7: {  	s23 =	simm.s32 $0x1B8B  }
0xa8: {  	_ =	swait.ge [sflag:s23], $0x1  }
0xa9: {  	[sflag:s23] =	ssyncset.done $0x0  }
0xaa: {  	s25 =	simm.s32 $0x1B8E;
	s24 =	sld [smem:$0x3FFE];
	[sflag:s23] =	ssyncadd.s32 $0xFFFFFFFF  }
0xab: {  	s26 =	simm.s32 $execute0_lowered;
	[smem:$0x3FD2] =	sst s25  }
0xac: {  	s6 =	sshll.u32 s26, $0x1;
	_ =	strace $0x80000046;
	[dreg:$0x1] =	wrdreg $0xFFFFFFFF  }
0xad: {  	s28 =	simm.s32 $_size_execute0_lowered;
	s4 =	sadd.s32 s4, s6;
	[dreg:$0x0] =	wrdreg $0x0  }
0xae: {  	s6 =	sshll.u32 s28, $0x1;
	[dreg:$0x2] =	wrdreg s4  }
0xaf: {  	[dreg:$0x3] =	wrdreg s6  }
0xb0: {  	[dreg:$0x4] =	wrdreg $0xC0  }
0xb1: {  	_ =	task [dreg:s8], $0x5FFFF  }
0xb2: {  	[dreg:$0x1] =	wrdreg $0xFFFFFFFF  }
0xb3: {  	[dreg:$0x0] =	wrdreg $0x60  }
0xb4: {  	[dreg:$0x2] =	wrdreg s16  }
0xb5: {  	[dreg:$0x3] =	wrdreg s17  }
0xb6: {  	[dreg:$0x4] =	wrdreg s24  }
0xb7: {  	[dreg:$0x5] =	wrdreg $0x9  }
0xb8: {  	_ =	task.clear_ibuf [dreg:s8], $0x6FFFF;
	_ =	strace $0x90000046  }
0xb9: {  	s29 =	simm.s32 $0x9;
	_ =	strace $0x80000048  }
0xba: {  	_ =	swait.ge [sflag:s29], $0x1  }
0xbb: {  	[sflag:s29] =	ssyncadd.s32 $0xFFFFFFFF  }
0xbc: {  	_ =	strace $0x90000048  }
0xbd: {  	_ =	sfence  }
0xbe: {  	s30 =	sld [smem:$0x0];
	_ =	sdelay $0x2  }
0xbf: {  	s31 =	sshll.u32 s1, $0xD;
	s1 =	sshrl.u32 s1, $0x2  }
0xc0: {  	s3 =	sand.u32 $0x4000, s31;
	s1 =	sadd.s32 s1, s30  }
0xc1: {  	s0 =	sor.u32 s3, s0;
	s1 =	sshll.u32 s1, $0x11  }
0xc2: {  	s0 =	sor.u32 s1, s0  }
0xc3: {  	s0 =	sadd.s32 $0x8F2B, s0  }
0xc4: {  	[sflag:s0] =	ssyncadd.remote.s32 $0x1  }
0xc5: {  	_ =	sfence.sel $0xFFFF  }
0xc6: {  	[dreg:$0x0] =	wrdreg $0xFFFFFFFF;
	(pc) =	sbr.abs _section_cstart, $3  }
0xc7: {  	[dreg:$0x1] =	wrdreg $0xFFFFFFFF  }
0xc8: {  	_ =	task.clear_ibuf [dreg:s8], $0x2FFFF;
	_ =	strace $0x9FFFFFFF  }
0xc9: {  	(tm) =	ssettm $0x7FFFFFFF  }
tec
execute0_lowered:
.L_overlay_start_1:
0x0: {  	(tag) =	ssettag $0x1  }
0x1: {  	s1 =	rddreg [dreg:$0x0];
	s2 =	srdreg.scid  }
0x2: {  	s4 =	rddreg [dreg:$0x1];
	s0 =	stileid.u32  }
0x3: {  	s8 =	rddreg [dreg:$0x2];
	s3 =	simm.s32 $0x0;
	s6 =	sand.u32 $0x1, s2  }
0x4: {  	s5 =	sshll.u32 s0, $0xA;
	s2 =	rddreg [dreg:$0x3];
	s7 =	sshll.u32 s6, $0x9  }
0x5: {  	[smem:$0x7FF] =	sst s3;
	s9 =	sor.u32 s7, s5  }
0x6: {  	_ =	strace $0x80000047;
	s10 =	ssub.s32 $0x2, s6;
	s5 =	sshrl.u32 s9, $0x3  }
0x7: {  	s6 =	simm.s32 $0x200;
	s5 =	sadd.s32 s4, s5;
	s4 =	simm.s32 $0x2  }
0x8: {  	[tilespmem:s3], [sflag:$0x2] =	stream.linear.gather [hbm4b:s5+s3], $0x200, $0x38;
	[tilespmem:$0x10200] =	vst v63  }
0x9: {  	s7 =	simm.s32 $0x1;
	s11 =	sshrl.u32 s10, $0x1;
	_ =	swait.ge [sflag:s4], $0x200  }
0xa: {  	s9 =	sshll.u32 s9, $0x4;
	s31 =	ssub.s32 s10, s11;
	[sflag:s4] =	ssyncset.done $0x0  }
0xb: {  	s8 =	sadd.s32 s9, s8;
	s9 =	smax.u32 s31, $0x1;
	[sflag:s4] =	ssyncadd.s32 $0xFFFFFE00  }
0xc: {  	[tilespmem:s6], [sflag:$0x1] =	stream.indirect.gather [hbm4b:s1+s6], $0x80, s3, s6, $0xb8;
	[tilespmem:$0x10200] =	vst v63  }
0xd: {  	p0 =	sne.s32 s9, $0x1;
	_ =	swait.ge [sflag:s7], $0x10000  }
.Ltmp0:
0xe: {  	[sflag:s7] =	ssyncset.done $0x0;
	(pc) =	sbr.rel @!p0 .LBB2_2-.Ltmp0, $4  }
0xf: {  	s8 =	sadd.s32 $0x41A00, s8;
	[sflag:s7] =	ssyncadd.s32 $0xFFFF0000  }
0x10: {  	[hbm4b:s8+s3] =	stream.linear.scatter [tilespmem:s6], [sflag:$0x2], $0x10000, $0x38;
	[tilespmem:$0x10200] =	vst v63  }
0x11: {  	_ =	swait.ge [sflag:s4], $0x10000  }
0x12: {  	s9 =	sadd.s32 $0xFFFFFFFF, s9;
	[sflag:s4] =	ssyncset.done $0x0  }
.LBB2_1:
0x13: {  	p0 =	sne.s32 s9, $0x1;
	s9 =	sadd.s32 $0xFFFFFFFF, s9;
	[sflag:s4] =	ssyncadd.s32 $0xFFFF0000  }
0x14: {  	[tilespmem:s3], [sflag:$0x2] =	stream.linear.gather [hbm4b:s5+s3], $0x200, $0x38;
	[tilespmem:$0x10200] =	vst v63  }
0x15: {  	_ =	swait.ge [sflag:s4], $0x200  }
0x16: {  	[sflag:s4] =	ssyncset.done $0x0  }
0x17: {  	[sflag:s4] =	ssyncadd.s32 $0xFFFFFE00  }
0x18: {  	[tilespmem:s6], [sflag:$0x1] =	stream.indirect.gather [hbm4b:s1+s6], $0x80, s3, s6, $0xb8;
	[tilespmem:$0x10200] =	vst v63  }
0x19: {  	_ =	swait.ge [sflag:s7], $0x10000  }
.Ltmp1:
0x1a: {  	[sflag:s7] =	ssyncset.done $0x0;
	(pc) =	sbr.rel @p0 .LBB2_1-.Ltmp1, $4  }
0x1b: {  	[sflag:s7] =	ssyncadd.s32 $0xFFFF0000  }
0x1c: {  	[hbm4b:s8+s3] =	stream.linear.scatter [tilespmem:s6], [sflag:$0x2], $0x10000, $0x38;
	[tilespmem:$0x10200] =	vst v63  }
0x1d: {  	_ =	swait.ge [sflag:s4], $0x10000  }
0x1e: {  	[sflag:s4] =	ssyncset.done $0x0  }
.LBB2_2:
0x1f: {  	[sflag:s4] =	ssyncadd.s32 $0xFFFF0000  }
0x20: {  	_ =	sfence.sel $0x180000  }
0x21: {  	[bflag:$0x0] =	sbarrier.arrive $0xFFFF  }
0x22: {  	p0 =	sne.s32 s0, $0x0;
	_ =	strace $0x90000047  }
0x23: {  	s0 =	sadd.s32 @!p0 $0x100000, s2;
	[bflag:$0x2] =	sbarrier.arrive $0xFFFF  }
0x24: {  	[sflag:s0] =	ssyncadd.tile.s32 @!p0 $0x1;
	_ =	shalt  }
.Lfunc_end2:
_tile_overlayer_lowered:
.L_overlay_start_2:
0x25: {  	(tag) =	ssettag $0x2  }
0x26: {  	s0 =	rddreg [dreg:$0x0];
	s2 =	stileid.u32  }
0x27: {  	s1 =	rddreg [dreg:$0x1];
	p0 =	sne.s32 s2, $0x0  }
0x28: {  	s3 =	rddreg [dreg:$0x2];
	[bflag:$0x3] =	sbarrier.arrive $0xFFFF;
	s2 =	simm.s32 @!p0 $0x1C02  }
0x29: {  	[timem:s3], [sflag:s2] =	dma.local @!p0 [hbm:s0], s1  }
0x2a: {  	s0 =	simm.s32 @!p0 $0x2  }
0x2b: {  	_ =	swait.ge @!p0 [sflag:s0], s1  }
0x2c: {  	s1 =	ssub.s32 @!p0 $0x0, s1;
	[sflag:s0] =	ssyncset.done @!p0 $0x0  }
0x2d: {  	[sflag:s0] =	ssyncadd.s32 @!p0 s1  }
0x2e: {  	[bflag:$0x3] =	sbarrier.arrive $0xFFFF  }
0x2f: {  	_ =	shalt  }

</sc_bundles>
